<compile_context>
chip_gen: v7x
topology: tpu7x:2x2x1
jax: 0.10.2.dev20260603
libtpu: 0.0.44.dev20260713+nightly
codegen_flags: <defaults>
</compile_context>

<pallas_src>
import functools

import jax
import jax.numpy as jnp
from jax import lax
from jax.experimental import pallas as pl
from jax.experimental.pallas import tpu as pltpu
from jax.experimental.pallas import tpu_sc as plsc

_DIM = 2048
_KEEP_RANK = _DIM // 2
_EPS = 1e-08
_CHUNK = 256

_NC, _NS, _L = 2, 16, 16
_NW = _NC * _NS
_SC_ROWS_PER_DMA = 16


def _mask_body(mu_row_ref, logD_row_ref, mu_col_ref, logD_col_ref, mask_ref):
    la_row = logD_row_ref[...] - jnp.log(mu_row_ref[...] ** 2 + _EPS)
    la_col = logD_col_ref[...] - jnp.log(mu_col_ref[...] ** 2 + _EPS)
    j_idx = jax.lax.broadcasted_iota(jnp.int32, (_CHUNK, _DIM), 1)
    counts = jnp.zeros((1, _DIM), dtype=jnp.int32)
    for k in range(_DIM // _CHUNK):
        la_i = la_col[k * _CHUNK:(k + 1) * _CHUNK, :]
        i_idx = k * _CHUNK + jax.lax.broadcasted_iota(
            jnp.int32, (_CHUNK, _DIM), 0)
        less = la_i < la_row
        eq_before = (la_i == la_row) & (i_idx < j_idx)
        counts = counts + jnp.sum(
            (less | eq_before).astype(jnp.int32), axis=0, keepdims=True)
    mask_ref[...] = (counts >= _KEEP_RANK).astype(jnp.float32)


def _compute_mask(mu, logD):
    return pl.pallas_call(
        _mask_body,
        out_shape=jax.ShapeDtypeStruct((1, _DIM), jnp.float32),
    )(mu.reshape(1, _DIM), logD.reshape(1, _DIM),
      mu.reshape(_DIM, 1), logD.reshape(_DIM, 1))


def _mul_body(x_ref, mask_ref, o_ref):
    o_ref[...] = x_ref[...] * mask_ref[...]


def _tc_multiply(x2d, mask, rows, block_rows=1024):
    return pl.pallas_call(
        _mul_body,
        grid=(rows // block_rows,),
        in_specs=[
            pl.BlockSpec((block_rows, _DIM), lambda i: (i, 0)),
            pl.BlockSpec((1, _DIM), lambda i: (0, 0)),
        ],
        out_specs=pl.BlockSpec((block_rows, _DIM), lambda i: (i, 0)),
        out_shape=jax.ShapeDtypeStruct((rows, _DIM), jnp.float32),
    )(x2d, mask)


def _sc_mul_body(x_hbm, mask_hbm, out_hbm, mbuf, buf, *, start, count):
    wid = lax.axis_index("s") * _NC + lax.axis_index("c")
    pltpu.sync_copy(mask_hbm, mbuf)
    per_w = count // _NW
    base = wid * per_w
    elems = _SC_ROWS_PER_DMA * _DIM
    nvec = elems // _L
    nchunks = per_w // elems

    def chunk_body(ci, _):
        off = start + base + ci * elems
        pltpu.sync_copy(x_hbm.at[pl.ds(off, elems)], buf)

        @plsc.parallel_loop(0, nvec, 1, unroll=8)
        def _vec(i):
            o = i * _L
            mo = lax.rem(i, _DIM // _L) * _L
            buf[pl.ds(o, _L)] = buf[pl.ds(o, _L)] * mbuf[pl.ds(mo, _L)]

        pltpu.sync_copy(buf, out_hbm.at[pl.ds(off - start, elems)])
        return 0

    lax.fori_loop(0, nchunks, chunk_body, 0)


def _sc_multiply(x1d, mask1d, start, count):
    mesh = plsc.VectorSubcoreMesh(core_axis_name="c", subcore_axis_name="s")
    f = functools.partial(
        pl.kernel,
        out_type=jax.ShapeDtypeStruct((count,), jnp.float32),
        mesh=mesh,
        scratch_types=[
            pltpu.VMEM((_DIM,), jnp.float32),
            pltpu.VMEM((_SC_ROWS_PER_DMA * _DIM,), jnp.float32),
        ],
    )(functools.partial(_sc_mul_body, start=start, count=count))
    return f(x1d, mask1d)


_SC_ROWS = 2048


@jax.jit
def _run(x, mu, logD):
    mask = _compute_mask(mu, logD)
    rows = x.shape[0] * x.shape[1]
    x2d = x.reshape(rows, _DIM)
    tc_rows = rows - _SC_ROWS
    tc_out = _tc_multiply(x2d, mask, tc_rows)
    sc_out = _sc_multiply(x.reshape(-1), mask.reshape(_DIM),
                          tc_rows * _DIM, _SC_ROWS * _DIM)
    y2d = jnp.concatenate([tc_out, sc_out.reshape(_SC_ROWS, _DIM)], axis=0)
    return y2d.reshape(x.shape)


def kernel(x, mu, logD):
    return _run(x, mu, logD)

# --- scband reference (transcript-rebuilt; emitter-appended) ---
"""Pipeline reference for scband-information-bottleneck-82403242541099 (READ-ONLY COPY).

The authoritative reference and input builder live on the scoring server;
editing this copy changes nothing except your own understanding.
"""

import jax, jax.numpy as jnp
import numpy as np

DIM = 2048
PRUNE_RATIO = 0.5
EPS = 1e-08

def setup_inputs(seed: int = 0) -> dict:
    key = jax.random.key(seed)
    k1, k2, k3 = jax.random.split(key, 3)
    x = jax.random.normal(k1, (4, 8192, DIM), dtype=jnp.float32)
    # learned parameters (torch init: mu=ones, logD=zeros; perturb so mask is nontrivial)
    mu = 1.0 + 0.5 * jax.random.normal(k2, (DIM,), dtype=jnp.float32)
    logD = 0.1 * jax.random.normal(k3, (DIM,), dtype=jnp.float32)
    return {"x": x, "mu": mu, "logD": logD}

def reference(x, mu, logD):
    # get_mask()
    logalpha = logD - jnp.log(mu ** 2 + EPS)
    num_pruned = int(DIM * PRUNE_RATIO)
    sorted_indices = jnp.argsort(logalpha)
    mask = jnp.ones_like(logalpha)
    mask = mask.at[sorted_indices[:num_pruned]].set(0.0)
    mask = mask.astype(jnp.float32)
    # forward
    return x * mask

if __name__ == "__main__":
    import jax
    _d = setup_inputs()
    print(jax.jit(kernel)(*tuple(_d.values())))

</pallas_src>

<mosaic_0001>
#map = affine_map<(d0, d1) -> (0)>
module attributes {stable_mosaic.version = 14 : i64} {
  func.func @_sc_mul_body(%arg0: i32, %arg1: i32, %arg2: memref<67108864xf32, #tpu.memory_space<hbm>>, %arg3: memref<2048xf32, #tpu.memory_space<hbm>>, %arg4: memref<4194304xf32, #tpu.memory_space<hbm>>, %arg5: memref<2048xf32, #tpu.memory_space<vmem>>, %arg6: memref<32768xf32, #tpu.memory_space<vmem>>) attributes {dimension_semantics = [#tpu.dimension_semantics<core_parallel>, #tpu.dimension_semantics<subcore_parallel>], iteration_bounds = array<i64: 2, 16>, scalar_prefetch = 0 : i64, scratch_operands = 2 : i64, tpu.core_type = #tpu.core_type<sc_vector_subcore>, window_params = [{transform_indices = #map}, {transform_indices = #map}, {transform_indices = #map}]} {
    %mul3A = arith.constant 2 : i32
    %mul3A_0 = arith.muli %arg1, %mul3A : i32
    %add3A = arith.addi %mul3A_0, %arg0 : i32
    "tpu.region"() ({
      %run_scoped3A = tpu.sem_alloc : memref<!tpu.dma_semaphore, #tpu.memory_space<semaphore_mem>>
      tpu.enqueue_dma source(%arg3 : memref<2048xf32, #tpu.memory_space<hbm>>) target(%arg5 : memref<2048xf32, #tpu.memory_space<vmem>>) target_semaphore(%run_scoped3A : memref<!tpu.dma_semaphore, #tpu.memory_space<semaphore_mem>>)
      tpu.wait_dma2 semaphore(%run_scoped3A : memref<!tpu.dma_semaphore, #tpu.memory_space<semaphore_mem>>) src(%arg3 : memref<2048xf32, #tpu.memory_space<hbm>>) dst(%arg5 : memref<2048xf32, #tpu.memory_space<vmem>>)
      tpu.yield
    }) : () -> ()
    %mul3A_1 = arith.constant 131072 : i32
    %mul3A_2 = arith.muli %add3A, %mul3A_1 : i32
    %scan3A = arith.constant 0 : i32
    %scan3A_3 = arith.constant 0 : i32
    %scan3A_4 = arith.constant 4 : i32
    %scan3A_5 = arith.addi %scan3A_3, %scan3A_4 : i32
    %scan3A_6 = arith.constant 1 : i32
    %scan3A_7 = scf.for %scan3A_9 = %scan3A_3 to %scan3A_5 step %scan3A_6 iter_args(%scan3A_10 = %scan3A) -> (i32)  : i32 {
      %add3A_11 = arith.constant 62914560 : i32
      %add3A_12 = arith.addi %add3A_11, %mul3A_2 : i32
      %mul3A_13 = arith.constant 32768 : i32
      %mul3A_14 = arith.muli %scan3A_9, %mul3A_13 : i32
      %add3A_15 = arith.addi %add3A_12, %mul3A_14 : i32
      "tpu.region"() ({
        %run_scoped3A = tpu.sem_alloc : memref<!tpu.dma_semaphore, #tpu.memory_space<semaphore_mem>>
        %dma_start3A = tpu.memref_slice %arg2[%add3A_15] : memref<67108864xf32, #tpu.memory_space<hbm>> -> memref<32768xf32, #tpu.memory_space<hbm>>
        %dma_start3A_20 = tpu.memref_slice %arg2[%add3A_15] : memref<67108864xf32, #tpu.memory_space<hbm>> -> memref<32768xf32, #tpu.memory_space<hbm>>
        tpu.enqueue_dma source(%dma_start3A_20 : memref<32768xf32, #tpu.memory_space<hbm>>) target(%arg6 : memref<32768xf32, #tpu.memory_space<vmem>>) target_semaphore(%run_scoped3A : memref<!tpu.dma_semaphore, #tpu.memory_space<semaphore_mem>>)
        %dma_wait3A = tpu.memref_slice %arg2[%add3A_15] : memref<67108864xf32, #tpu.memory_space<hbm>> -> memref<32768xf32, #tpu.memory_space<hbm>>
        %dma_wait3A_21 = tpu.memref_slice %arg2[%add3A_15] : memref<67108864xf32, #tpu.memory_space<hbm>> -> memref<32768xf32, #tpu.memory_space<hbm>>
        tpu.wait_dma2 semaphore(%run_scoped3A : memref<!tpu.dma_semaphore, #tpu.memory_space<semaphore_mem>>) src(%dma_wait3A_21 : memref<32768xf32, #tpu.memory_space<hbm>>) dst(%arg6 : memref<32768xf32, #tpu.memory_space<vmem>>)
        tpu.yield
      }) : () -> ()
      %parallel_loop3A = arith.constant 0 : i32
      %parallel_loop3A_16 = arith.constant 2048 : i32
      %parallel_loop3A_17 = arith.constant 1 : i32
      scf.for %parallel_loop3A_20 = %parallel_loop3A to %parallel_loop3A_16 step %parallel_loop3A_17  : i32 {
        %parallel_loop3A_21 = arith.constant 16 : i32
        %parallel_loop3A_22 = arith.muli %parallel_loop3A_20, %parallel_loop3A_21 : i32
        %parallel_loop3A_23 = arith.constant 128 : i32
        %parallel_loop3A_24 = arith.remsi %parallel_loop3A_20, %parallel_loop3A_23 : i32
        %parallel_loop3A_25 = arith.constant 16 : i32
        %parallel_loop3A_26 = arith.muli %parallel_loop3A_24, %parallel_loop3A_25 : i32
        %parallel_loop3A_27 = arith.index_cast %parallel_loop3A_22 : i32 to index
        %parallel_loop3A_28 = tpu.vector_load %arg6[%parallel_loop3A_27] {strides = array<i32>} : memref<32768xf32, #tpu.memory_space<vmem>>, vector<16xf32>,
        %parallel_loop3A_29 = vector.shape_cast %parallel_loop3A_28 : vector<16xf32> to vector<16xf32>
        %parallel_loop3A_30 = arith.index_cast %parallel_loop3A_26 : i32 to index
        %parallel_loop3A_31 = tpu.vector_load %arg5[%parallel_loop3A_30] {strides = array<i32>} : memref<2048xf32, #tpu.memory_space<vmem>>, vector<16xf32>,
        %parallel_loop3A_32 = vector.shape_cast %parallel_loop3A_31 : vector<16xf32> to vector<16xf32>
        %parallel_loop3A_33 = arith.mulf %parallel_loop3A_29, %parallel_loop3A_32 : vector<16xf32>
        %parallel_loop3A_34 = arith.index_cast %parallel_loop3A_22 : i32 to index
        %parallel_loop3A_35 = tpu.vector_load %arg6[%parallel_loop3A_34] {strides = array<i32>} : memref<32768xf32, #tpu.memory_space<vmem>>, vector<16xf32>,
        %parallel_loop3A_36 = vector.shape_cast %parallel_loop3A_35 : vector<16xf32> to vector<16xf32>
        %parallel_loop3A_37 = vector.shape_cast %parallel_loop3A_33 : vector<16xf32> to vector<16xf32>
        tpu.vector_store %arg6[%parallel_loop3A_34], %parallel_loop3A_37 {strides = array<i32>} : memref<32768xf32, #tpu.memory_space<vmem>>, vector<16xf32>,
      } {sc.loop_unroll_factor = 8 : i64, sc.parallel_access}
      %sub3A = arith.constant 62914560 : i32
      %sub3A_18 = arith.subi %add3A_15, %sub3A : i32
      "tpu.region"() ({
        %run_scoped3A = tpu.sem_alloc : memref<!tpu.dma_semaphore, #tpu.memory_space<semaphore_mem>>
        %dma_start3A = tpu.memref_slice %arg4[%sub3A_18] : memref<4194304xf32, #tpu.memory_space<hbm>> -> memref<32768xf32, #tpu.memory_space<hbm>>
        %dma_start3A_20 = tpu.memref_slice %arg4[%sub3A_18] : memref<4194304xf32, #tpu.memory_space<hbm>> -> memref<32768xf32, #tpu.memory_space<hbm>>
        tpu.enqueue_dma source(%arg6 : memref<32768xf32, #tpu.memory_space<vmem>>) target(%dma_start3A_20 : memref<32768xf32, #tpu.memory_space<hbm>>) target_semaphore(%run_scoped3A : memref<!tpu.dma_semaphore, #tpu.memory_space<semaphore_mem>>)
        %dma_wait3A = tpu.memref_slice %arg4[%sub3A_18] : memref<4194304xf32, #tpu.memory_space<hbm>> -> memref<32768xf32, #tpu.memory_space<hbm>>
        %dma_wait3A_21 = tpu.memref_slice %arg4[%sub3A_18] : memref<4194304xf32, #tpu.memory_space<hbm>> -> memref<32768xf32, #tpu.memory_space<hbm>>
        tpu.wait_dma2 semaphore(%run_scoped3A : memref<!tpu.dma_semaphore, #tpu.memory_space<semaphore_mem>>) src(%arg6 : memref<32768xf32, #tpu.memory_space<vmem>>) dst(%dma_wait3A_21 : memref<32768xf32, #tpu.memory_space<hbm>>)
        tpu.yield
      }) : () -> ()
      %scan3A_19 = arith.constant 0 : i32
      scf.yield %scan3A_19 : i32
    }
    %scan3A_8 = arith.constant 4 : i32
    return
  }
}

module attributes {stable_mosaic.version = 14 : i64} {
  func.func @_mask_body(%arg0: memref<1x2048xf32, #tpu.memory_space<vmem>>, %arg1: memref<1x2048xf32, #tpu.memory_space<vmem>>, %arg2: memref<2048x1xf32, #tpu.memory_space<vmem>>, %arg3: memref<2048x1xf32, #tpu.memory_space<vmem>>, %arg4: memref<1x2048xf32, #tpu.memory_space<vmem>>) attributes {dimension_semantics = [], scalar_prefetch = 0 : i64, scratch_operands = 0 : i64, tpu.core_type = #tpu.core_type<tc>} {
    %get3A = arith.constant 0 : index
    %get3A_0 = arith.constant 0 : index
    %get3A_1 = vector.load %arg1[%get3A, %get3A_0] : memref<1x2048xf32, #tpu.memory_space<vmem>>, vector<1x2048xf32>
    %get3A_2 = arith.constant 0 : index
    %get3A_3 = arith.constant 0 : index
    %get3A_4 = vector.load %arg0[%get3A_2, %get3A_3] : memref<1x2048xf32, #tpu.memory_space<vmem>>, vector<1x2048xf32>
    %integer_pow3A = arith.mulf %get3A_4, %get3A_4 : vector<1x2048xf32>
    %add3A = arith.constant 9.99999993E-9 : f32
    %add3A_5 = vector.broadcast %add3A : f32 to vector<1x2048xf32>
    %add3A_6 = arith.addf %integer_pow3A, %add3A_5 : vector<1x2048xf32>
    %log3A = math.log %add3A_6 : vector<1x2048xf32>
    %sub3A = arith.subf %get3A_1, %log3A : vector<1x2048xf32>
    %get3A_7 = arith.constant 0 : index
    %get3A_8 = arith.constant 0 : index
    %get3A_9 = vector.load %arg3[%get3A_7, %get3A_8] : memref<2048x1xf32, #tpu.memory_space<vmem>>, vector<2048x1xf32>
    %get3A_10 = arith.constant 0 : index
    %get3A_11 = arith.constant 0 : index
    %get3A_12 = vector.load %arg2[%get3A_10, %get3A_11] : memref<2048x1xf32, #tpu.memory_space<vmem>>, vector<2048x1xf32>
    %integer_pow3A_13 = arith.mulf %get3A_12, %get3A_12 : vector<2048x1xf32>
    %add3A_14 = arith.constant 9.99999993E-9 : f32
    %add3A_15 = vector.broadcast %add3A_14 : f32 to vector<2048x1xf32>
    %add3A_16 = arith.addf %integer_pow3A_13, %add3A_15 : vector<2048x1xf32>
    %log3A_17 = math.log %add3A_16 : vector<2048x1xf32>
    %sub3A_18 = arith.subf %get3A_9, %log3A_17 : vector<2048x1xf32>
    %iota3A = tpu.iota {dimensions = array<i32: 1>} : vector<256x2048xi32>
    %broadcast_in_dim3A = arith.constant 0 : i32
    %broadcast_in_dim3A_19 = vector.broadcast %broadcast_in_dim3A : i32 to vector<1x2048xi32>
    %slice3A = vector.extract_strided_slice %sub3A_18 {offsets = [0, 0], sizes = [256, 1], strides = [1, 1]} : vector<2048x1xf32> to vector<256x1xf32>
    %iota3A_20 = tpu.iota {dimensions = array<i32: 0>} : vector<256x2048xi32>
    %add3A_21 = arith.constant 0 : i32
    %add3A_22 = vector.broadcast %add3A_21 : i32 to vector<256x2048xi32>
    %add3A_23 = arith.addi %add3A_22, %iota3A_20 : vector<256x2048xi32>
    %lt3A = vector.broadcast %slice3A : vector<256x1xf32> to vector<256x2048xf32>
    %lt3A_24 = vector.broadcast %sub3A : vector<1x2048xf32> to vector<256x2048xf32>
    %lt3A_25 = arith.cmpf olt, %lt3A, %lt3A_24 : vector<256x2048xf32>
    %eq3A = vector.broadcast %slice3A : vector<256x1xf32> to vector<256x2048xf32>
    %eq3A_26 = vector.broadcast %sub3A : vector<1x2048xf32> to vector<256x2048xf32>
    %eq3A_27 = arith.cmpf oeq, %eq3A, %eq3A_26 : vector<256x2048xf32>
    %lt3A_28 = arith.cmpi slt, %add3A_23, %iota3A : vector<256x2048xi32>
    %and3A = arith.andi %eq3A_27, %lt3A_28 : vector<256x2048xi1>
    %or3A = arith.ori %lt3A_25, %and3A : vector<256x2048xi1>
    %convert_element_type3A = arith.extui %or3A : vector<256x2048xi1> to vector<256x2048xi32>
    %reduce_sum3A = arith.constant dense<0> : vector<2048xi32>
    %reduce_sum3A_29 = vector.multi_reduction <add>, %convert_element_type3A, %reduce_sum3A [0] : vector<256x2048xi32> to vector<2048xi32>
    %broadcast_in_dim3A_30 = vector.shape_cast %reduce_sum3A_29 : vector<2048xi32> to vector<1x2048xi32>
    %add3A_31 = arith.addi %broadcast_in_dim3A_19, %broadcast_in_dim3A_30 : vector<1x2048xi32>
    %slice3A_32 = vector.extract_strided_slice %sub3A_18 {offsets = [256, 0], sizes = [256, 1], strides = [1, 1]} : vector<2048x1xf32> to vector<256x1xf32>
    %iota3A_33 = tpu.iota {dimensions = array<i32: 0>} : vector<256x2048xi32>
    %add3A_34 = arith.constant 256 : i32
    %add3A_35 = vector.broadcast %add3A_34 : i32 to vector<256x2048xi32>
    %add3A_36 = arith.addi %add3A_35, %iota3A_33 : vector<256x2048xi32>
    %lt3A_37 = vector.broadcast %slice3A_32 : vector<256x1xf32> to vector<256x2048xf32>
    %lt3A_38 = vector.broadcast %sub3A : vector<1x2048xf32> to vector<256x2048xf32>
    %lt3A_39 = arith.cmpf olt, %lt3A_37, %lt3A_38 : vector<256x2048xf32>
    %eq3A_40 = vector.broadcast %slice3A_32 : vector<256x1xf32> to vector<256x2048xf32>
    %eq3A_41 = vector.broadcast %sub3A : vector<1x2048xf32> to vector<256x2048xf32>
    %eq3A_42 = arith.cmpf oeq, %eq3A_40, %eq3A_41 : vector<256x2048xf32>
    %lt3A_43 = arith.cmpi slt, %add3A_36, %iota3A : vector<256x2048xi32>
    %and3A_44 = arith.andi %eq3A_42, %lt3A_43 : vector<256x2048xi1>
    %or3A_45 = arith.ori %lt3A_39, %and3A_44 : vector<256x2048xi1>
    %convert_element_type3A_46 = arith.extui %or3A_45 : vector<256x2048xi1> to vector<256x2048xi32>
    %reduce_sum3A_47 = arith.constant dense<0> : vector<2048xi32>
    %reduce_sum3A_48 = vector.multi_reduction <add>, %convert_element_type3A_46, %reduce_sum3A_47 [0] : vector<256x2048xi32> to vector<2048xi32>
    %broadcast_in_dim3A_49 = vector.shape_cast %reduce_sum3A_48 : vector<2048xi32> to vector<1x2048xi32>
    %add3A_50 = arith.addi %add3A_31, %broadcast_in_dim3A_49 : vector<1x2048xi32>
    %slice3A_51 = vector.extract_strided_slice %sub3A_18 {offsets = [512, 0], sizes = [256, 1], strides = [1, 1]} : vector<2048x1xf32> to vector<256x1xf32>
    %iota3A_52 = tpu.iota {dimensions = array<i32: 0>} : vector<256x2048xi32>
    %add3A_53 = arith.constant 512 : i32
    %add3A_54 = vector.broadcast %add3A_53 : i32 to vector<256x2048xi32>
    %add3A_55 = arith.addi %add3A_54, %iota3A_52 : vector<256x2048xi32>
    %lt3A_56 = vector.broadcast %slice3A_51 : vector<256x1xf32> to vector<256x2048xf32>
    %lt3A_57 = vector.broadcast %sub3A : vector<1x2048xf32> to vector<256x2048xf32>
    %lt3A_58 = arith.cmpf olt, %lt3A_56, %lt3A_57 : vector<256x2048xf32>
    %eq3A_59 = vector.broadcast %slice3A_51 : vector<256x1xf32> to vector<256x2048xf32>
    %eq3A_60 = vector.broadcast %sub3A : vector<1x2048xf32> to vector<256x2048xf32>
    %eq3A_61 = arith.cmpf oeq, %eq3A_59, %eq3A_60 : vector<256x2048xf32>
    %lt3A_62 = arith.cmpi slt, %add3A_55, %iota3A : vector<256x2048xi32>
    %and3A_63 = arith.andi %eq3A_61, %lt3A_62 : vector<256x2048xi1>
    %or3A_64 = arith.ori %lt3A_58, %and3A_63 : vector<256x2048xi1>
    %convert_element_type3A_65 = arith.extui %or3A_64 : vector<256x2048xi1> to vector<256x2048xi32>
    %reduce_sum3A_66 = arith.constant dense<0> : vector<2048xi32>
    %reduce_sum3A_67 = vector.multi_reduction <add>, %convert_element_type3A_65, %reduce_sum3A_66 [0] : vector<256x2048xi32> to vector<2048xi32>
    %broadcast_in_dim3A_68 = vector.shape_cast %reduce_sum3A_67 : vector<2048xi32> to vector<1x2048xi32>
    %add3A_69 = arith.addi %add3A_50, %broadcast_in_dim3A_68 : vector<1x2048xi32>
    %slice3A_70 = vector.extract_strided_slice %sub3A_18 {offsets = [768, 0], sizes = [256, 1], strides = [1, 1]} : vector<2048x1xf32> to vector<256x1xf32>
    %iota3A_71 = tpu.iota {dimensions = array<i32: 0>} : vector<256x2048xi32>
    %add3A_72 = arith.constant 768 : i32
    %add3A_73 = vector.broadcast %add3A_72 : i32 to vector<256x2048xi32>
    %add3A_74 = arith.addi %add3A_73, %iota3A_71 : vector<256x2048xi32>
    %lt3A_75 = vector.broadcast %slice3A_70 : vector<256x1xf32> to vector<256x2048xf32>
    %lt3A_76 = vector.broadcast %sub3A : vector<1x2048xf32> to vector<256x2048xf32>
    %lt3A_77 = arith.cmpf olt, %lt3A_75, %lt3A_76 : vector<256x2048xf32>
    %eq3A_78 = vector.broadcast %slice3A_70 : vector<256x1xf32> to vector<256x2048xf32>
    %eq3A_79 = vector.broadcast %sub3A : vector<1x2048xf32> to vector<256x2048xf32>
    %eq3A_80 = arith.cmpf oeq, %eq3A_78, %eq3A_79 : vector<256x2048xf32>
    %lt3A_81 = arith.cmpi slt, %add3A_74, %iota3A : vector<256x2048xi32>
    %and3A_82 = arith.andi %eq3A_80, %lt3A_81 : vector<256x2048xi1>
    %or3A_83 = arith.ori %lt3A_77, %and3A_82 : vector<256x2048xi1>
    %convert_element_type3A_84 = arith.extui %or3A_83 : vector<256x2048xi1> to vector<256x2048xi32>
    %reduce_sum3A_85 = arith.constant dense<0> : vector<2048xi32>
    %reduce_sum3A_86 = vector.multi_reduction <add>, %convert_element_type3A_84, %reduce_sum3A_85 [0] : vector<256x2048xi32> to vector<2048xi32>
    %broadcast_in_dim3A_87 = vector.shape_cast %reduce_sum3A_86 : vector<2048xi32> to vector<1x2048xi32>
    %add3A_88 = arith.addi %add3A_69, %broadcast_in_dim3A_87 : vector<1x2048xi32>
    %slice3A_89 = vector.extract_strided_slice %sub3A_18 {offsets = [1024, 0], sizes = [256, 1], strides = [1, 1]} : vector<2048x1xf32> to vector<256x1xf32>
    %iota3A_90 = tpu.iota {dimensions = array<i32: 0>} : vector<256x2048xi32>
    %add3A_91 = arith.constant 1024 : i32
    %add3A_92 = vector.broadcast %add3A_91 : i32 to vector<256x2048xi32>
    %add3A_93 = arith.addi %add3A_92, %iota3A_90 : vector<256x2048xi32>
    %lt3A_94 = vector.broadcast %slice3A_89 : vector<256x1xf32> to vector<256x2048xf32>
    %lt3A_95 = vector.broadcast %sub3A : vector<1x2048xf32> to vector<256x2048xf32>
    %lt3A_96 = arith.cmpf olt, %lt3A_94, %lt3A_95 : vector<256x2048xf32>
    %eq3A_97 = vector.broadcast %slice3A_89 : vector<256x1xf32> to vector<256x2048xf32>
    %eq3A_98 = vector.broadcast %sub3A : vector<1x2048xf32> to vector<256x2048xf32>
    %eq3A_99 = arith.cmpf oeq, %eq3A_97, %eq3A_98 : vector<256x2048xf32>
    %lt3A_100 = arith.cmpi slt, %add3A_93, %iota3A : vector<256x2048xi32>
    %and3A_101 = arith.andi %eq3A_99, %lt3A_100 : vector<256x2048xi1>
    %or3A_102 = arith.ori %lt3A_96, %and3A_101 : vector<256x2048xi1>
    %convert_element_type3A_103 = arith.extui %or3A_102 : vector<256x2048xi1> to vector<256x2048xi32>
    %reduce_sum3A_104 = arith.constant dense<0> : vector<2048xi32>
    %reduce_sum3A_105 = vector.multi_reduction <add>, %convert_element_type3A_103, %reduce_sum3A_104 [0] : vector<256x2048xi32> to vector<2048xi32>
    %broadcast_in_dim3A_106 = vector.shape_cast %reduce_sum3A_105 : vector<2048xi32> to vector<1x2048xi32>
    %add3A_107 = arith.addi %add3A_88, %broadcast_in_dim3A_106 : vector<1x2048xi32>
    %slice3A_108 = vector.extract_strided_slice %sub3A_18 {offsets = [1280, 0], sizes = [256, 1], strides = [1, 1]} : vector<2048x1xf32> to vector<256x1xf32>
    %iota3A_109 = tpu.iota {dimensions = array<i32: 0>} : vector<256x2048xi32>
    %add3A_110 = arith.constant 1280 : i32
    %add3A_111 = vector.broadcast %add3A_110 : i32 to vector<256x2048xi32>
    %add3A_112 = arith.addi %add3A_111, %iota3A_109 : vector<256x2048xi32>
    %lt3A_113 = vector.broadcast %slice3A_108 : vector<256x1xf32> to vector<256x2048xf32>
    %lt3A_114 = vector.broadcast %sub3A : vector<1x2048xf32> to vector<256x2048xf32>
    %lt3A_115 = arith.cmpf olt, %lt3A_113, %lt3A_114 : vector<256x2048xf32>
    %eq3A_116 = vector.broadcast %slice3A_108 : vector<256x1xf32> to vector<256x2048xf32>
    %eq3A_117 = vector.broadcast %sub3A : vector<1x2048xf32> to vector<256x2048xf32>
    %eq3A_118 = arith.cmpf oeq, %eq3A_116, %eq3A_117 : vector<256x2048xf32>
    %lt3A_119 = arith.cmpi slt, %add3A_112, %iota3A : vector<256x2048xi32>
    %and3A_120 = arith.andi %eq3A_118, %lt3A_119 : vector<256x2048xi1>
    %or3A_121 = arith.ori %lt3A_115, %and3A_120 : vector<256x2048xi1>
    %convert_element_type3A_122 = arith.extui %or3A_121 : vector<256x2048xi1> to vector<256x2048xi32>
    %reduce_sum3A_123 = arith.constant dense<0> : vector<2048xi32>
    %reduce_sum3A_124 = vector.multi_reduction <add>, %convert_element_type3A_122, %reduce_sum3A_123 [0] : vector<256x2048xi32> to vector<2048xi32>
    %broadcast_in_dim3A_125 = vector.shape_cast %reduce_sum3A_124 : vector<2048xi32> to vector<1x2048xi32>
    %add3A_126 = arith.addi %add3A_107, %broadcast_in_dim3A_125 : vector<1x2048xi32>
    %slice3A_127 = vector.extract_strided_slice %sub3A_18 {offsets = [1536, 0], sizes = [256, 1], strides = [1, 1]} : vector<2048x1xf32> to vector<256x1xf32>
    %iota3A_128 = tpu.iota {dimensions = array<i32: 0>} : vector<256x2048xi32>
    %add3A_129 = arith.constant 1536 : i32
    %add3A_130 = vector.broadcast %add3A_129 : i32 to vector<256x2048xi32>
    %add3A_131 = arith.addi %add3A_130, %iota3A_128 : vector<256x2048xi32>
    %lt3A_132 = vector.broadcast %slice3A_127 : vector<256x1xf32> to vector<256x2048xf32>
    %lt3A_133 = vector.broadcast %sub3A : vector<1x2048xf32> to vector<256x2048xf32>
    %lt3A_134 = arith.cmpf olt, %lt3A_132, %lt3A_133 : vector<256x2048xf32>
    %eq3A_135 = vector.broadcast %slice3A_127 : vector<256x1xf32> to vector<256x2048xf32>
    %eq3A_136 = vector.broadcast %sub3A : vector<1x2048xf32> to vector<256x2048xf32>
    %eq3A_137 = arith.cmpf oeq, %eq3A_135, %eq3A_136 : vector<256x2048xf32>
    %lt3A_138 = arith.cmpi slt, %add3A_131, %iota3A : vector<256x2048xi32>
    %and3A_139 = arith.andi %eq3A_137, %lt3A_138 : vector<256x2048xi1>
    %or3A_140 = arith.ori %lt3A_134, %and3A_139 : vector<256x2048xi1>
    %convert_element_type3A_141 = arith.extui %or3A_140 : vector<256x2048xi1> to vector<256x2048xi32>
    %reduce_sum3A_142 = arith.constant dense<0> : vector<2048xi32>
    %reduce_sum3A_143 = vector.multi_reduction <add>, %convert_element_type3A_141, %reduce_sum3A_142 [0] : vector<256x2048xi32> to vector<2048xi32>
    %broadcast_in_dim3A_144 = vector.shape_cast %reduce_sum3A_143 : vector<2048xi32> to vector<1x2048xi32>
    %add3A_145 = arith.addi %add3A_126, %broadcast_in_dim3A_144 : vector<1x2048xi32>
    %slice3A_146 = vector.extract_strided_slice %sub3A_18 {offsets = [1792, 0], sizes = [256, 1], strides = [1, 1]} : vector<2048x1xf32> to vector<256x1xf32>
    %iota3A_147 = tpu.iota {dimensions = array<i32: 0>} : vector<256x2048xi32>
    %add3A_148 = arith.constant 1792 : i32
    %add3A_149 = vector.broadcast %add3A_148 : i32 to vector<256x2048xi32>
    %add3A_150 = arith.addi %add3A_149, %iota3A_147 : vector<256x2048xi32>
    %lt3A_151 = vector.broadcast %slice3A_146 : vector<256x1xf32> to vector<256x2048xf32>
    %lt3A_152 = vector.broadcast %sub3A : vector<1x2048xf32> to vector<256x2048xf32>
    %lt3A_153 = arith.cmpf olt, %lt3A_151, %lt3A_152 : vector<256x2048xf32>
    %eq3A_154 = vector.broadcast %slice3A_146 : vector<256x1xf32> to vector<256x2048xf32>
    %eq3A_155 = vector.broadcast %sub3A : vector<1x2048xf32> to vector<256x2048xf32>
    %eq3A_156 = arith.cmpf oeq, %eq3A_154, %eq3A_155 : vector<256x2048xf32>
    %lt3A_157 = arith.cmpi slt, %add3A_150, %iota3A : vector<256x2048xi32>
    %and3A_158 = arith.andi %eq3A_156, %lt3A_157 : vector<256x2048xi1>
    %or3A_159 = arith.ori %lt3A_153, %and3A_158 : vector<256x2048xi1>
    %convert_element_type3A_160 = arith.extui %or3A_159 : vector<256x2048xi1> to vector<256x2048xi32>
    %reduce_sum3A_161 = arith.constant dense<0> : vector<2048xi32>
    %reduce_sum3A_162 = vector.multi_reduction <add>, %convert_element_type3A_160, %reduce_sum3A_161 [0] : vector<256x2048xi32> to vector<2048xi32>
    %broadcast_in_dim3A_163 = vector.shape_cast %reduce_sum3A_162 : vector<2048xi32> to vector<1x2048xi32>
    %add3A_164 = arith.addi %add3A_145, %broadcast_in_dim3A_163 : vector<1x2048xi32>
    %ge3A = arith.constant 1024 : i32
    %ge3A_165 = vector.broadcast %ge3A : i32 to vector<1x2048xi32>
    %ge3A_166 = arith.cmpi sge, %add3A_164, %ge3A_165 : vector<1x2048xi32>
    %convert_element_type3A_167 = arith.extui %ge3A_166 : vector<1x2048xi1> to vector<1x2048xi32>
    %convert_element_type3A_168 = arith.sitofp %convert_element_type3A_167 : vector<1x2048xi32> to vector<1x2048xf32>
    %swap3A = arith.constant 0 : index
    %swap3A_169 = arith.constant 0 : index
    %swap3A_170 = vector.load %arg4[%swap3A, %swap3A_169] : memref<1x2048xf32, #tpu.memory_space<vmem>>, vector<1x2048xf32>
    tpu.vector_store %arg4[%swap3A, %swap3A_169], %convert_element_type3A_168 {strides = array<i32>} : memref<1x2048xf32, #tpu.memory_space<vmem>>, vector<1x2048xf32>,
    return
  }
}

module attributes {stable_mosaic.version = 14 : i64} {
  func.func @_mul_body(%arg0: i32, %arg1: memref<1024x2048xf32, #tpu.memory_space<vmem>>, %arg2: memref<1x2048xf32, #tpu.memory_space<vmem>>, %arg3: memref<1024x2048xf32, #tpu.memory_space<vmem>>) attributes {dimension_semantics = [#tpu.dimension_semantics<arbitrary>], iteration_bounds = array<i64: 30>, scalar_prefetch = 0 : i64, scratch_operands = 0 : i64, tpu.core_type = #tpu.core_type<tc>, window_params = [{transform_indices = @transform_0, window_bounds = array<i64: 1024, 2048>}, {pipeline_mode = #tpu.pipeline_mode<synchronous>, transform_indices = @transform_1, window_bounds = array<i64: 1, 2048>}, {transform_indices = @transform_2, window_bounds = array<i64: 1024, 2048>}]} {
    %get3A = arith.constant 0 : index
    %get3A_0 = arith.constant 0 : index
    %get3A_1 = vector.load %arg1[%get3A, %get3A_0] : memref<1024x2048xf32, #tpu.memory_space<vmem>>, vector<1024x2048xf32>
    %get3A_2 = arith.constant 0 : index
    %get3A_3 = arith.constant 0 : index
    %get3A_4 = vector.load %arg2[%get3A_2, %get3A_3] : memref<1x2048xf32, #tpu.memory_space<vmem>>, vector<1x2048xf32>
    %mul3A = vector.broadcast %get3A_4 : vector<1x2048xf32> to vector<1024x2048xf32>
    %mul3A_5 = arith.mulf %get3A_1, %mul3A : vector<1024x2048xf32>
    %swap3A = arith.constant 0 : index
    %swap3A_6 = arith.constant 0 : index
    %swap3A_7 = vector.load %arg3[%swap3A, %swap3A_6] : memref<1024x2048xf32, #tpu.memory_space<vmem>>, vector<1024x2048xf32>
    tpu.vector_store %arg3[%swap3A, %swap3A_6], %mul3A_5 {strides = array<i32>} : memref<1024x2048xf32, #tpu.memory_space<vmem>>, vector<1024x2048xf32>,
    return
  }
  func.func @transform_0(%arg0: i32) -> (i32, i32) {
    %c0_i32 = arith.constant 0 : i32
    %c0_i32_0 = arith.constant 0 : i32
    return %arg0, %c0_i32 : i32, i32
  }
  func.func @transform_1(%arg0: i32) -> (i32, i32) {
    %c0_i32 = arith.constant 0 : i32
    %c0_i32_0 = arith.constant 0 : i32
    %c0_i32_1 = arith.constant 0 : i32
    return %c0_i32, %c0_i32_0 : i32, i32
  }
  func.func @transform_2(%arg0: i32) -> (i32, i32) {
    %c0_i32 = arith.constant 0 : i32
    %c0_i32_0 = arith.constant 0 : i32
    return %arg0, %c0_i32 : i32, i32
  }
}

</mosaic_0001>

<sc_bundles>
// kernel: _run.5.cloned.1.call-start
scs
__scs_entry_jumppad:
0x0: {  	(pc) =	sbr.rel $0x88, $3  }
0x1: {  	(tag) =	ssettag $0x0;
	lr =	simm.s32 $0x1  }
0x2: {  	[smem:$0x3F9E] =	sst lr;
	_ =	strace $0xD0000000  }
0x3: {  	_ = 	snop  }
0x4: {  	_ = 	snop  }
0x5: {  	_ = 	snop  }
0x6: {  	_ = 	snop  }
0x7: {  	_ = 	snop  }
__scs_overlays_trampoline_lowered:
0x8: {  	[smem:$0x3FAD] =	sst s0  }
0x9: {  	[smem:$0x3FAE] =	sst s1  }
0xa: {  	[smem:$0x3FAF] =	sst s2  }
0xb: {  	[smem:$0x3FB0] =	sst s3  }
0xc: {  	[smem:$0x3FB1] =	sst s4  }
0xd: {  	[smem:$0x3FB2] =	sst s5  }
0xe: {  	[smem:$0x3FB3] =	sst s6  }
0xf: {  	[smem:$0x3FB4] =	sst s7  }
0x10: {  	[smem:$0x3FB5] =	sst s8  }
0x11: {  	[smem:$0x3FB6] =	sst s9;
	s0 =	simm.s32 @!p0 $0x0  }
0x12: {  	s1 =	sld [smem:$0x3F9C];
	s0 =	simm.s32 @p0 $0x1  }
0x13: {  	[smem:$0x3FB7] =	sst s0;
	s0 =	simm.s32 @!p1 $0x0  }
0x14: {  	s2 =	sld [smem:$0x3F9B];
	s0 =	simm.s32 @p1 $0x1  }
0x15: {  	[smem:$0x3FB8] =	sst s0;
	s0 =	simm.s32 @!p2 $0x0  }
0x16: {  	s3 =	sld [smem:$0x3FDB];
	s0 =	simm.s32 @p2 $0x1  }
0x17: {  	s4 =	simm.s32 $0x1BF5;
	[smem:$0x3FBA] =	sst s0  }
0x18: {  	s0 =	sld [smem:$0x3F9D];
	_ =	swait.ge [sflag:s4], $0x0  }
0x19: {  	s7 =	sld [smem:$0x3F9E]  }
0x1a: {  	s8 =	sadd.s32 $0xFFFFE003, lr  }
0x1b: {  	s9 =	sadd.s32 $0xFFFFFEF7, lr;
	s5 =	simm.s32 $0xFFFFFFFF;
	p2 =	slt.u32 s8, $0xFFFFF086  }
0x1c: {  	p1 =	slt.u32 s9, $0xF7A;
	s5 =	simm.s32 @!p2 $0x0  }
0x1d: {  	s5 =	simm.s32 @p1 $0x1;
	p0 =	seq.s32 s7, s2  }
0x1e: {  	s7 =	smul.u32 @!p0 $0xF7A, s2;
	p2 =	seq.s32 @!p0 s5, $0x0  }
0x1f: {  	s9 =	smul.u32 $0xF7A, s1;
	s8 =	simm.s32 @!p0 $0x1BF5;
	p2 =	por !p2, p0  }
0x20: {  	[sflag:s8] =	ssyncset.s32 @!p0 $0xFFFFF086;
	s6 =	sadd.s32 @!p0 s3, s7;
	s7 =	simm.s32 @!p0 $0x108  }
0x21: {  	s3 =	sadd.s32 s3, s9;
	s6 =	sadd.s32 @!p0 $0x88, s6;
	s7 =	simm.s32 @p2 $0x1082  }
0x22: {  	[simem:s7], [sflag:s8] =	dma.local @!p0 [hbm:s6], $0xF7A  }
0x23: {  	s9 =	sor.u32 $0xD0000000, s2;
	s6 =	simm.s32 $0x108;
	_ =	swait.ge @!p0 [sflag:s8], $0x0  }
0x24: {  	s3 =	sadd.s32 $0x88, s3;
	s6 =	simm.s32 @!p1 $0x1082;
	[sflag:s4] =	ssyncset.s32 $0xFFFFF086  }
0x25: {  	[simem:s6], [sflag:s4] =	dma.local [hbm:s3], $0xF7A  }
0x26: {  	[smem:$0x3F9E] =	sst s1;
	(tag) =	ssettag s2;
	_ =	strace s9  }
0x27: {  	s1 =	sld [smem:$0x3FAE]  }
0x28: {  	s2 =	sld [smem:$0x3FAF]  }
0x29: {  	s4 =	sld [smem:$0x3FB1]  }
0x2a: {  	p0 =	seq.s32 s5, $0x0;
	s5 =	sld [smem:$0x3FB2]  }
0x2b: {  	s6 =	sld [smem:$0x3FB3]  }
0x2c: {  	s7 =	sld [smem:$0x3FB4]  }
0x2d: {  	s3 =	simm.s32 $0x108;
	s8 =	sld [smem:$0x3FB5]  }
0x2e: {  	s3 =	simm.s32 @!p0 $0x1082;
	s9 =	sld [smem:$0x3FB6]  }
0x2f: {  	lr =	sadd.s32 s0, s3;
	s0 =	sld [smem:$0x3FAD]  }
0x30: {  	s3 =	sld [smem:$0x3FB0]  }
0x31: {  	[smem:$0x3FB9] =	sst s10  }
0x32: {  	s10 =	sld [smem:$0x3FB7];
	_ =	sdelay $0x3  }
0x33: {  	p0 =	seq.s32 s10, $0x1;
	s10 =	sld [smem:$0x3FB9];
	_ =	sdelay $0x3  }
0x34: {  	[smem:$0x3FB9] =	sst s10  }
0x35: {  	s10 =	sld [smem:$0x3FB8];
	_ =	sdelay $0x3  }
0x36: {  	p1 =	seq.s32 s10, $0x1;
	s10 =	sld [smem:$0x3FB9];
	_ =	sdelay $0x3  }
0x37: {  	[smem:$0x3FB9] =	sst s10  }
0x38: {  	s10 =	sld [smem:$0x3FBA]  }
0x39: {  	_ = 	snop;
	(pc) =	sbr.ind lr, $3  }
0x3a: {  	_ = 	snop  }
0x3b: {  	_ = 	snop  }
0x3c: {  	p2 =	seq.s32 s10, $0x1;
	s10 =	sld [smem:$0x3FB9]  }
0x3d: {  	_ =	shalt  }
0x3e: {  	_ =	shalt  }
0x3f: {  	_ =	shalt  }
0x40: {  	_ =	shalt  }
0x41: {  	_ =	shalt  }
0x42: {  	_ =	shalt  }
0x43: {  	_ =	shalt  }
0x44: {  	_ =	shalt  }
0x45: {  	_ =	shalt  }
0x46: {  	_ =	shalt  }
0x47: {  	_ =	shalt  }
0x48: {  	_ =	shalt  }
0x49: {  	_ =	shalt  }
0x4a: {  	_ =	shalt  }
0x4b: {  	_ =	shalt  }
0x4c: {  	_ =	shalt  }
0x4d: {  	_ =	shalt  }
0x4e: {  	_ =	shalt  }
0x4f: {  	_ =	shalt  }
0x50: {  	_ =	shalt  }
0x51: {  	_ =	shalt  }
0x52: {  	_ =	shalt  }
0x53: {  	_ =	shalt  }
0x54: {  	_ =	shalt  }
0x55: {  	_ =	shalt  }
0x56: {  	_ =	shalt  }
0x57: {  	_ =	shalt  }
0x58: {  	_ =	shalt  }
0x59: {  	_ =	shalt  }
0x5a: {  	_ =	shalt  }
0x5b: {  	_ =	shalt  }
0x5c: {  	_ =	shalt  }
0x5d: {  	_ =	shalt  }
0x5e: {  	_ =	shalt  }
0x5f: {  	_ =	shalt  }
0x60: {  	_ =	shalt  }
0x61: {  	_ =	shalt  }
0x62: {  	_ =	shalt  }
0x63: {  	_ =	shalt  }
0x64: {  	_ =	shalt  }
0x65: {  	_ =	shalt  }
0x66: {  	_ =	shalt  }
0x67: {  	_ =	shalt  }
0x68: {  	_ =	shalt  }
0x69: {  	_ =	shalt  }
0x6a: {  	_ =	shalt  }
0x6b: {  	_ =	shalt  }
0x6c: {  	_ =	shalt  }
0x6d: {  	_ =	shalt  }
0x6e: {  	_ =	shalt  }
0x6f: {  	_ =	shalt  }
0x70: {  	_ =	shalt  }
0x71: {  	_ =	shalt  }
0x72: {  	_ =	shalt  }
0x73: {  	_ =	shalt  }
0x74: {  	_ =	shalt  }
0x75: {  	_ =	shalt  }
0x76: {  	_ =	shalt  }
0x77: {  	_ =	shalt  }
0x78: {  	_ =	shalt  }
0x79: {  	_ =	shalt  }
0x7a: {  	_ =	shalt  }
0x7b: {  	_ =	shalt  }
0x7c: {  	_ =	shalt  }
0x7d: {  	_ =	shalt  }
0x7e: {  	_ =	shalt  }
0x7f: {  	_ =	shalt  }
0x80: {  	_ =	shalt  }
0x81: {  	_ =	shalt  }
0x82: {  	_ =	shalt  }
0x83: {  	_ =	shalt  }
0x84: {  	_ =	shalt  }
0x85: {  	_ =	shalt  }
0x86: {  	_ =	shalt  }
0x87: {  	_ =	shalt  }
.Lfunc_end0:
.L_simem_size_0:
called_computation.1_lowered:
.L_overlay_start_0:
0x88: {  	s2 =	sld [smem:$0x3FD9]  }
0x89: {  	s3 =	sld [smem:$0x3FFE];
	_ =	sdelay $0x1  }
0x8a: {  	s1 =	srdreg.scid  }
0x8b: {  	s0 =	sand.u32 $0x1, s1  }
0x8c: {  	s17 =	sshll.u32 s0, $0xA;
	s2 =	sadd.s32 s3, s2  }
0x8d: {  	s2 =	sadd.s32 s2, s17  }
0x8e: {  	[smem:$0x3FC5] =	sst s2  }
0x8f: {  	_ = 	snop  }
0x90: {  	s2 =	sld [smem:$0x3FD0];
	(tm) =	ssettm $0x1  }
0x91: {  	s18 =	sld [smem:$0x3FFB];
	_ =	sdelay $0x3  }
0x92: {  	_ =	strace s18  }
0x93: {  	s3 =	sld [smem:$0x3FFC];
	_ =	sdelay $0x3  }
0x94: {  	_ =	strace s3  }
0x95: {  	s3 =	sld [smem:$0x3FFD];
	_ =	sdelay $0x3  }
0x96: {  	_ =	strace s3  }
0x97: {  	_ =	strace $0x8FFFFFFF  }
0x98: {  	s19 =	sld [smem:$0x3FDB];
	_ =	sdelay $0x1  }
0x99: {  	s4 =	simm.s32 $_scs_section_size  }
0x9a: {  	s5 =	simm.s32 $_size__tile_overlayer_lowered;
	s6 =	simm.s32 $_tile_overlayer_lowered  }
0x9b: {  	s22 =	simm.s32 $0x1BFF;
	s21 =	sshll.u32 s6, $0x1;
	s3 =	sadd.s32 s4, s19  }
0x9c: {  	s7 =	simm.s32 $0x0;
	s20 =	sshll.u32 s5, $0x1;
	s5 =	sadd.s32 s21, s3  }
0x9d: {  	[timem:s7], [sflag:s22] =	dma.local [hbm:s5], s20  }
0x9e: {  	_ =	swait.ge [sflag:s22], s20  }
0x9f: {  	s4 =	ssub.s32 $0x0, s20;
	[sflag:s22] =	ssyncset.done $0x0  }
0xa0: {  	[sflag:s22] =	ssyncadd.s32 s4;
	_ =	sdelay $0x1  }
0xa1: {  	s23 =	simm.s32 $0x1B8B  }
0xa2: {  	_ =	swait.ge [sflag:s23], $0x1  }
0xa3: {  	[sflag:s23] =	ssyncset.done $0x0  }
0xa4: {  	s25 =	simm.s32 $0x1B8E;
	s24 =	sld [smem:$0x3FFE];
	[sflag:s23] =	ssyncadd.s32 $0xFFFFFFFF  }
0xa5: {  	s26 =	simm.s32 $execute0_lowered;
	[smem:$0x3FD2] =	sst s25  }
0xa6: {  	s5 =	sshll.u32 s26, $0x1;
	_ =	strace $0x80000049;
	[dreg:$0x1] =	wrdreg $0xFFFFFFFF  }
0xa7: {  	s28 =	simm.s32 $_size_execute0_lowered;
	s3 =	sadd.s32 s3, s5;
	[dreg:$0x0] =	wrdreg $0x0  }
0xa8: {  	s5 =	sshll.u32 s28, $0x1;
	[dreg:$0x2] =	wrdreg s3  }
0xa9: {  	[dreg:$0x3] =	wrdreg s5  }
0xaa: {  	[dreg:$0x4] =	wrdreg $0xC0  }
0xab: {  	_ =	task [dreg:s7], $0x5FFFF  }
0xac: {  	[dreg:$0x1] =	wrdreg $0xFFFFFFFF  }
0xad: {  	[dreg:$0x0] =	wrdreg $0x60  }
0xae: {  	[dreg:$0x2] =	wrdreg s2  }
0xaf: {  	[dreg:$0x3] =	wrdreg s24  }
0xb0: {  	[dreg:$0x4] =	wrdreg $0x9  }
0xb1: {  	_ =	task.clear_ibuf [dreg:s7], $0x5FFFF;
	_ =	strace $0x90000049  }
0xb2: {  	s29 =	simm.s32 $0x9;
	_ =	strace $0x8000004B  }
0xb3: {  	_ =	swait.ge [sflag:s29], $0x1  }
0xb4: {  	[sflag:s29] =	ssyncadd.s32 $0xFFFFFFFF  }
0xb5: {  	_ =	strace $0x9000004B  }
0xb6: {  	_ =	sfence  }
0xb7: {  	s30 =	sld [smem:$0x0];
	_ =	sdelay $0x2  }
0xb8: {  	s31 =	sshll.u32 s1, $0xD;
	s1 =	sshrl.u32 s1, $0x2  }
0xb9: {  	s3 =	sand.u32 $0x4000, s31;
	s1 =	sadd.s32 s1, s30  }
0xba: {  	s0 =	sor.u32 s3, s0;
	s1 =	sshll.u32 s1, $0x11  }
0xbb: {  	s0 =	sor.u32 s1, s0  }
0xbc: {  	s0 =	sadd.s32 $0x8F2B, s0  }
0xbd: {  	[sflag:s0] =	ssyncadd.remote.s32 $0x1  }
0xbe: {  	_ =	sfence.sel $0xFFFF  }
0xbf: {  	[dreg:$0x0] =	wrdreg $0xFFFFFFFF;
	(pc) =	sbr.abs _section_cstart, $3  }
0xc0: {  	[dreg:$0x1] =	wrdreg $0xFFFFFFFF  }
0xc1: {  	_ =	task.clear_ibuf [dreg:s7], $0x2FFFF;
	_ =	strace $0x9FFFFFFF  }
0xc2: {  	(tm) =	ssettm $0x7FFFFFFF  }
0xc3: {  	_ =	shalt  }
tec
execute0_lowered:
.L_overlay_start_1:
0x0: {  	(tag) =	ssettag $0x1  }
0x1: {  	s6 =	rddreg [dreg:$0x0]  }
0x2: {  	s2 =	rddreg [dreg:$0x1]  }
0x3: {  	s0 =	rddreg [dreg:$0x2];
	s1 =	simm.s32 $0x0  }
0x4: {  	s3 =	srdreg.scid;
	s9 =	simm.s32 $0x800;
	s10 =	simm.s32 $0x0  }
0x5: {  	[smem:$0x7FF] =	sst s1;
	s5 =	sand.u32 $0x1, s3;
	s3 =	sadd.s32 $0x1000, s2  }
0x6: {  	s4 =	sadd.s32 $0x1200, s2;
	s2 =	stileid.u32;
	s7 =	ssub.s32 $0x2, s5  }
0x7: {  	s6 =	sadd.s32 $0x780000, s6;
	_ =	strace $0x8000004A;
	s8 =	sshrl.u32 s7, $0x1  }
0x8: {  	s31 =	sshll.u32 s2, $0xF;
	s5 =	sshll.u32 s5, $0xE;
	s7 =	ssub.s32 s7, s8  }
0x9: {  	s5 =	sor.u32 s5, s31;
	s8 =	simm.s32 $0x1;
	s7 =	smax.u32 s7, $0x1  }
.LBB2_1:
0xa: {  	[tilespmem:s1], [sflag:$0x1] =	stream.linear.gather [hbm4b:s3+s1], $0x800, $0x38;
	[tilespmem:$0x8800] =	vst v63  }
0xb: {  	_ =	swait.ge [sflag:s8], $0x800  }
0xc: {  	[sflag:s8] =	ssyncset.done $0x0  }
0xd: {  	s11 =	simm.s32 $0x0;
	[sflag:s8] =	ssyncadd.s32 $0xFFFFF800  }
.LBB2_2:
0xe: {  	s12 =	sshll.u32 s11, $0xC  }
0xf: {  	s12 =	sadd.s32 s5, s12  }
0x10: {  	s14 =	simm.s32 $0x0;
	s13 =	sadd.s32 s12, s6  }
0x11: {  	[tilespmem:s9], [sflag:$0x1] =	stream.linear.gather [hbm4b:s13+s14], $0x8000, $0x38;
	[tilespmem:$0x8800] =	vst v63  }
0x12: {  	_ =	swait.ge [sflag:s8], $0x8000  }
0x13: {  	[sflag:s8] =	ssyncset.done $0x0  }
0x14: {  	s31 =	simm.s32 $0x0;
	s13 =	simm.s32 $0x0;
	[sflag:s8] =	ssyncadd.s32 $0xFFFF8000  }
0x15: {  	s14 =	sand.u32 $0x780, s31;
	v6 =	vld [tilespmem:s13+$0x870]  }
0x16: {  	v7 =	vld [tilespmem:s14+$0x70]  }
0x17: {  	v11 =	vld [tilespmem:s14+$0x0]  }
0x18: {  	v5 =	vld [tilespmem:s14+$0x10]  }
0x19: {  	v4 =	vld [tilespmem:s14+$0x20]  }
0x1a: {  	v3 =	vld [tilespmem:s14+$0x30]  }
0x1b: {  	v1 =	vld [tilespmem:s14+$0x40]  }
0x1c: {  	v2 =	vld [tilespmem:s14+$0x50]  }
0x1d: {  	v0 =	vld [tilespmem:s14+$0x60]  }
0x1e: {  	v12 =	vld [tilespmem:s13+$0x800]  }
0x1f: {  	v10 =	vld [tilespmem:s13+$0x810]  }
0x20: {  	v9 =	vld [tilespmem:s13+$0x820]  }
0x21: {  	v8 =	vld [tilespmem:s13+$0x830];
	v7 =	vmul.f32 v7, v6  }
0x22: {  	v6 =	vld [tilespmem:s13+$0x840]  }
0x23: {  	s15 =	simm.s32 $0x200;
	s14 =	simm.s32 $0x0;
	v11 =	vmul.f32 v11, v12;
	[tilespmem:s13+$0x870] =	vst v7;
	v7 =	vld [tilespmem:s13+$0x850]  }
.LBB2_3:
0x24: {  	s16 =	sshra.s32 s15, $0x2;
	s17 =	sshrl.u32 s15, $0x2;
	s14 =	sadd.s32 $0x8, s14;
	v5 =	vmul.f32 v5, v10;
	v10 =	vld [tilespmem:s13+$0x860]  }
0x25: {  	s17 =	sand.u32 $0x780, s17;
	v12 =	vld [tilespmem:s16+$0x870];
	p0 =	slt.u32 s14, $0x7F8;
	[tilespmem:s13+$0x800] =	vst v11;
	v4 =	vmul.f32 v4, v9  }
0x26: {  	v9 =	vld [tilespmem:s17+$0x70];
	[tilespmem:s13+$0x810] =	vst v5;
	v3 =	vmul.f32 v3, v8  }
0x27: {  	v11 =	vld [tilespmem:s17+$0x0];
	[tilespmem:s13+$0x820] =	vst v4;
	v1 =	vmul.f32 v1, v6  }
0x28: {  	v5 =	vld [tilespmem:s17+$0x10];
	[tilespmem:s13+$0x830] =	vst v3;
	v2 =	vmul.f32 v2, v7  }
0x29: {  	v4 =	vld [tilespmem:s17+$0x20];
	[tilespmem:s13+$0x840] =	vst v1;
	v0 =	vmul.f32 v0, v10  }
0x2a: {  	v3 =	vld [tilespmem:s17+$0x30];
	[tilespmem:s13+$0x850] =	vst v2  }
0x2b: {  	v1 =	vld [tilespmem:s17+$0x40];
	v6 =	vmul.f32 v9, v12;
	[tilespmem:s13+$0x860] =	vst v0;
	s13 =	smov.u32 s16  }
0x2c: {  	v2 =	vld [tilespmem:s17+$0x50]  }
0x2d: {  	v0 =	vld [tilespmem:s17+$0x60];
	[tilespmem:s13+$0x870] =	vst v6  }
0x2e: {  	v7 =	vld [tilespmem:s13+$0x800]  }
.Ltmp0:
0x2f: {  	v10 =	vld [tilespmem:s13+$0x810];
	(pc) =	sbr.rel @p0 .LBB2_3-.Ltmp0, $4  }
0x30: {  	v9 =	vld [tilespmem:s13+$0x820]  }
0x31: {  	v8 =	vld [tilespmem:s13+$0x830]  }
0x32: {  	v6 =	vld [tilespmem:s13+$0x840]  }
0x33: {  	s15 =	sadd.s32 $0x200, s15;
	v11 =	vmul.f32 v11, v7;
	v7 =	vld [tilespmem:s13+$0x850]  }
0x34: {  	v5 =	vmul.f32 v5, v10;
	v63 =	vld [tilespmem:s13+$0x860]  }
0x35: {  	[tilespmem:s13+$0x800] =	vst v11;
	v4 =	vmul.f32 v4, v9  }
0x36: {  	[tilespmem:s13+$0x810] =	vst v5;
	v3 =	vmul.f32 v3, v8  }
0x37: {  	[tilespmem:s13+$0x820] =	vst v4;
	v1 =	vmul.f32 v1, v6  }
0x38: {  	[tilespmem:s13+$0x830] =	vst v3;
	v2 =	vmul.f32 v2, v7  }
0x39: {  	s11 =	sadd.s32 $0x1, s11;
	[tilespmem:s13+$0x840] =	vst v1;
	v0 =	vmul.f32 v0, v63  }
0x3a: {  	p0 =	sne.s32 s11, $0x4;
	[tilespmem:s13+$0x850] =	vst v2  }
.Ltmp1:
0x3b: {  	s12 =	sadd.s32 s4, s12;
	[tilespmem:s13+$0x860] =	vst v0;
	(pc) =	sbr.rel @p0 .LBB2_2-.Ltmp1, $4  }
0x3c: {  	[hbm4b:s12+s1] =	stream.linear.scatter [tilespmem:s9], [sflag:$0x1], $0x8000, $0x38;
	[tilespmem:$0x8800] =	vst v63  }
0x3d: {  	_ =	swait.ge [sflag:s8], $0x8000  }
0x3e: {  	[sflag:s8] =	ssyncset.done $0x0  }
0x3f: {  	[sflag:s8] =	ssyncadd.s32 $0xFFFF8000  }
0x40: {  	s10 =	sadd.s32 $0x1, s10  }
0x41: {  	p0 =	sne.s32 s10, s7  }
.Ltmp2:
0x42: {  	_ = 	snop;
	(pc) =	sbr.rel @p0 .LBB2_1-.Ltmp2, $1  }
0x43: {  	_ =	sdelay $0x3  }
0x44: {  	_ =	sfence.sel $0x180000  }
0x45: {  	[bflag:$0x0] =	sbarrier.arrive $0xFFFF  }
0x46: {  	p0 =	sne.s32 s2, $0x0;
	_ =	strace $0x9000004A  }
0x47: {  	s0 =	sadd.s32 @!p0 $0x100000, s0;
	[bflag:$0x2] =	sbarrier.arrive $0xFFFF  }
0x48: {  	[sflag:s0] =	ssyncadd.tile.s32 @!p0 $0x1;
	_ =	shalt  }
.Lfunc_end2:
_tile_overlayer_lowered:
.L_overlay_start_2:
0x49: {  	(tag) =	ssettag $0x2  }
0x4a: {  	s0 =	rddreg [dreg:$0x0];
	s2 =	stileid.u32  }
0x4b: {  	s1 =	rddreg [dreg:$0x1];
	p0 =	sne.s32 s2, $0x0  }
0x4c: {  	s3 =	rddreg [dreg:$0x2];
	[bflag:$0x3] =	sbarrier.arrive $0xFFFF;
	s2 =	simm.s32 @!p0 $0x1C01  }
0x4d: {  	[timem:s3], [sflag:s2] =	dma.local @!p0 [hbm:s0], s1  }
0x4e: {  	s0 =	simm.s32 @!p0 $0x1  }
0x4f: {  	_ =	swait.ge @!p0 [sflag:s0], s1  }
0x50: {  	s1 =	ssub.s32 @!p0 $0x0, s1;
	[sflag:s0] =	ssyncset.done @!p0 $0x0  }
0x51: {  	[sflag:s0] =	ssyncadd.s32 @!p0 s1  }
0x52: {  	[bflag:$0x3] =	sbarrier.arrive $0xFFFF  }
0x53: {  	_ =	shalt  }

// kernel: sparse-core-data-format-call.cloned.1.call-start
scs
called_computation_lowered:
.L_overlay_start_0:
0x0: {  	s2 =	sld [smem:$0x3FD9]  }
0x1: {  	s3 =	sld [smem:$0x3FFE];
	_ =	sdelay $0x1  }
0x2: {  	s1 =	srdreg.scid  }
0x3: {  	s0 =	sand.u32 $0x1, s1  }
0x4: {  	s19 =	sshll.u32 s0, $0xA;
	s2 =	sadd.s32 s3, s2  }
0x5: {  	s2 =	sadd.s32 s2, s19  }
0x6: {  	[smem:$0x3FC5] =	sst s2  }
0x7: {  	_ = 	snop  }
0x8: {  	s2 =	sld [smem:$0x3FC9]  }
0x9: {  	s20 =	sld [smem:$0x3FD0];
	(tm) =	ssettm $0x1  }
0xa: {  	s4 =	sld [smem:$0x3FFB];
	_ =	sdelay $0x3  }
0xb: {  	_ =	strace s4  }
0xc: {  	s4 =	sld [smem:$0x3FFC];
	_ =	sdelay $0x3  }
0xd: {  	_ =	strace s4  }
0xe: {  	s4 =	sld [smem:$0x3FFD];
	_ =	sdelay $0x3  }
0xf: {  	_ =	strace s4  }
0x10: {  	_ =	strace $0x8FFFFFFF  }
0x11: {  	s21 =	sld [smem:$0x3FDB];
	_ =	sdelay $0x1  }
0x12: {  	s5 =	simm.s32 $_scs_section_size  }
0x13: {  	s6 =	simm.s32 $_size__tile_overlayer_lowered;
	s7 =	simm.s32 $_tile_overlayer_lowered  }
0x14: {  	s24 =	simm.s32 $0x1BFF;
	s23 =	sshll.u32 s7, $0x1;
	s4 =	sadd.s32 s5, s21  }
0x15: {  	s8 =	simm.s32 $0x0;
	s22 =	sshll.u32 s6, $0x1;
	s6 =	sadd.s32 s23, s4  }
0x16: {  	[timem:s8], [sflag:s24] =	dma.local [hbm:s6], s22  }
0x17: {  	_ =	swait.ge [sflag:s24], s22  }
0x18: {  	s5 =	ssub.s32 $0x0, s22;
	[sflag:s24] =	ssyncset.done $0x0  }
0x19: {  	[sflag:s24] =	ssyncadd.s32 s5;
	_ =	sdelay $0x1  }
0x1a: {  	s25 =	simm.s32 $0x1B8B  }
0x1b: {  	_ =	swait.ge [sflag:s25], $0x1  }
0x1c: {  	[sflag:s25] =	ssyncset.done $0x0  }
0x1d: {  	s26 =	simm.s32 $0x1B8E;
	[sflag:s25] =	ssyncadd.s32 $0xFFFFFFFF  }
0x1e: {  	s27 =	simm.s32 $execute0_lowered;
	[smem:$0x3FD2] =	sst s26  }
0x1f: {  	s5 =	sshll.u32 s27, $0x1;
	_ =	strace $0x80000046;
	[dreg:$0x1] =	wrdreg $0xFFFFFFFF  }
0x20: {  	s28 =	simm.s32 $_size_execute0_lowered;
	s4 =	sadd.s32 s4, s5;
	[dreg:$0x0] =	wrdreg $0x0  }
0x21: {  	s5 =	sshll.u32 s28, $0x1;
	[dreg:$0x2] =	wrdreg s4  }
0x22: {  	[dreg:$0x3] =	wrdreg s5  }
0x23: {  	[dreg:$0x4] =	wrdreg $0xC0  }
0x24: {  	_ =	task [dreg:s8], $0x5FFFF  }
0x25: {  	[dreg:$0x1] =	wrdreg $0xFFFFFFFF  }
0x26: {  	[dreg:$0x0] =	wrdreg $0x60  }
0x27: {  	[dreg:$0x2] =	wrdreg s2  }
0x28: {  	[dreg:$0x3] =	wrdreg s20  }
0x29: {  	[dreg:$0x4] =	wrdreg $0x9  }
0x2a: {  	_ =	task.clear_ibuf [dreg:s8], $0x5FFFF;
	_ =	strace $0x90000046  }
0x2b: {  	s29 =	simm.s32 $0x9;
	_ =	strace $0x80000048  }
0x2c: {  	_ =	swait.ge [sflag:s29], $0x1  }
0x2d: {  	[sflag:s29] =	ssyncadd.s32 $0xFFFFFFFF  }
0x2e: {  	_ =	strace $0x90000048  }
0x2f: {  	_ =	sfence  }
0x30: {  	s30 =	sld [smem:$0x0];
	_ =	sdelay $0x2  }
0x31: {  	s31 =	sshll.u32 s1, $0xD;
	s1 =	sshrl.u32 s1, $0x2  }
0x32: {  	s3 =	sand.u32 $0x4000, s31;
	s1 =	sadd.s32 s1, s30  }
0x33: {  	s0 =	sor.u32 s3, s0;
	s1 =	sshll.u32 s1, $0x11  }
0x34: {  	s0 =	sor.u32 s1, s0  }
0x35: {  	s0 =	sadd.s32 $0x8F2B, s0  }
0x36: {  	[sflag:s0] =	ssyncadd.remote.s32 $0x1  }
0x37: {  	_ =	sfence.sel $0xFFFF  }
0x38: {  	[dreg:$0x0] =	wrdreg $0xFFFFFFFF;
	(pc) =	sbr.abs _section_cstart, $3  }
0x39: {  	[dreg:$0x1] =	wrdreg $0xFFFFFFFF  }
0x3a: {  	_ =	task.clear_ibuf [dreg:s8], $0x2FFFF;
	_ =	strace $0x9FFFFFFF  }
0x3b: {  	(tm) =	ssettm $0x7FFFFFFF  }
tec
execute0_lowered:
.L_overlay_start_1:
0x0: {  	(tag) =	ssettag $0x1  }
0x1: {  	s2 =	rddreg [dreg:$0x0]  }
0x2: {  	s3 =	rddreg [dreg:$0x1]  }
0x3: {  	s0 =	rddreg [dreg:$0x2];
	s4 =	srdreg.scid  }
.Ltmp0:
0x4: {  	_ =	strace $0x80000047;
	s1 =	stileid.u32;
	(pc) =	sbr.rel .LBB1_1-.Ltmp0, $4  }
0x5: {  	s6 =	simm.s32 $0x2;
	p0 =	por $0x0, $0x0;
	s5 =	sshll.u32 s4, $0x4  }
0x6: {  	s9 =	simm.s32 $0x0;
	s4 =	simm.s32 $0x1;
	s5 =	sand.u32 $0x10, s5  }
0x7: {  	s7 =	simm.s32 $0x0;
	[sflag:s4] =	ssyncpa.u1 $0x0;
	s5 =	sor.u32 s1, s5  }
0x8: {  	[sflag:s6] =	ssyncpa.u1 $0x0;
	s6 =	simm.s32 $0x0;
	s8 =	smov.u32 s5  }
.LBB1_7:
0x9: {  	s11 =	sadd.s32 $0x20, s8  }
0xa: {  	p1 =	slt.u32 s7, $0x2;
	s7 =	sadd.s32 $0x1, s7;
	p2 =	sgt.s32 s11, $0xFFF  }
0xb: {  	s11 =	smov.u32 @p2 s5;
	p2 =	sne.s32 s7, $0x82  }
.Ltmp1:
0xc: {  	_ = 	snop;
	(pc) =	sbr.rel @!p2 .LBB1_8-.Ltmp1, $4  }
0xd: {  	s10 =	simm.s32 @!p1 $0x2  }
0xe: {  	_ =	swait.ge @!p1 [sflag:s10], $0x4000  }
0xf: {  	s9 =	smov.u32 s8;
	[sflag:s10] =	ssyncset.done @!p1 $0x0  }
0x10: {  	p0 =	por !p0, !p0;
	s8 =	smov.u32 s11;
	[sflag:s10] =	ssyncadd.s32 @!p1 $0xFFFFC000  }
.LBB1_1:
0x11: {  	p1 =	sgt.u32 s7, $0x7F  }
0x12: {  	s10 =	sxor.u32 @!p1 $0xFFFFFFFF, s7  }
0x13: {  	s11 =	sshll.u32 @!p1 s8, $0xB;
	s10 =	sshll.u32 @!p1 s10, $0xE  }
0x14: {  	s12 =	simm.s32 @!p1 $0x0;
	s11 =	sadd.s32 @!p1 s2, s11;
	s10 =	sand.u32 @!p1 $0x4000, s10  }
0x15: {  	[tilespmem:s10], [sflag:$0x1] =	stream.linear.gather @!p1 [hbm4b:s11+s12], $0x4000, $0x38;
	[tilespmem:$0x10000] =	vst v63  }
0x16: {  	p1 =	seq.s32 s7, $0x0  }
0x17: {  	p2 =	seq.s32 @!p1 s7, $0x81  }
0x18: {  	p1 =	por p1, p2  }
.Ltmp2:
0x19: {  	_ = 	snop;
	(pc) =	sbr.rel @p1 .LBB1_7-.Ltmp2, $1  }
0x1a: {  	_ =	sdelay $0x3  }
0x1b: {  	s10 =	simm.s32 $0x1;
	_ =	swait.ge [sflag:s4], $0x4000;
	s12 =	sshll.u32 s7, $0xE  }
0x1c: {  	s13 =	simm.s32 $0x0;
	s10 =	simm.s32 @!p0 $0x0;
	[sflag:s4] =	ssyncset.done $0x0  }
0x1d: {  	s12 =	sand.u32 $0x4000, s12;
	s11 =	sshll.u32 s10, $0xE;
	[sflag:s4] =	ssyncadd.s32 $0xFFFFC000  }
0x1e: {  	s12 =	sor.u32 $0x8000, s12;
	s10 =	sor.u32 $0x8040, s11;
	s11 =	sor.u32 $0x40, s11  }
.LBB1_3:
0x1f: {  	v0 =	vmov s11;
	_ =	sdelay $0x3  }
0x20: {  	s15 =	simm.s32 $0x0  }
0x21: {  	v6 =	vld.idx.msk [tilespmem:v0+s15+$0x30 ss:$0x1], $0xffff  }
0x22: {  	v7 =	vld.idx.msk [tilespmem:v0+s15+$0xFFFFFFC0 ss:$0x1], $0xffff  }
0x23: {  	v5 =	vld.idx.msk [tilespmem:v0+s15+$0xFFFFFFD0 ss:$0x1], $0xffff  }
0x24: {  	v4 =	vld.idx.msk [tilespmem:v0+s15+$0xFFFFFFE0 ss:$0x1], $0xffff  }
0x25: {  	v3 =	vld.idx.msk [tilespmem:v0+s15+$0xFFFFFFF0 ss:$0x1], $0xffff  }
0x26: {  	v1 =	vld.idx.msk [tilespmem:v0+s15+$0x0 ss:$0x1], $0xffff  }
0x27: {  	v2 =	vld.idx.msk [tilespmem:v0+s15+$0x10 ss:$0x1], $0xffff;
	[tilespmem:s10+$0x30] =	vst v6  }
0x28: {  	s14 =	simm.s32 $0x80;
	s16 =	simm.s32 $0x400;
	[tilespmem:s10+$0xFFFFFFC0] =	vst v7;
	v6 =	vld.idx.msk [tilespmem:v0+s15+$0x20 ss:$0x1], $0xffff;
	s15 =	smov.u32 s10  }
.LBB1_4:
0x29: {  	p1 =	sne.s32 s16, $0xE00;
	v7 =	vld.idx.msk [tilespmem:v0+s14+$0x30 ss:$0x1], $0xffff;
	[tilespmem:s15+$0xFFFFFFD0] =	vst v5  }
0x2a: {  	v8 =	vld.idx.msk [tilespmem:v0+s14+$0xFFFFFFC0 ss:$0x1], $0xffff;
	[tilespmem:s15+$0xFFFFFFE0] =	vst v4  }
0x2b: {  	v5 =	vld.idx.msk [tilespmem:v0+s14+$0xFFFFFFD0 ss:$0x1], $0xffff;
	[tilespmem:s15+$0xFFFFFFF0] =	vst v3  }
.Ltmp3:
0x2c: {  	v4 =	vld.idx.msk [tilespmem:v0+s14+$0xFFFFFFE0 ss:$0x1], $0xffff;
	[tilespmem:s15+$0x0] =	vst v1;
	(pc) =	sbr.rel @p1 .LBB1_4-.Ltmp3, $4  }
0x2d: {  	v3 =	vld.idx.msk [tilespmem:v0+s14+$0xFFFFFFF0 ss:$0x1], $0xffff;
	[tilespmem:s15+$0x10] =	vst v2  }
0x2e: {  	v1 =	vld.idx.msk [tilespmem:v0+s14+$0x0 ss:$0x1], $0xffff;
	[tilespmem:s15+$0x20] =	vst v6;
	s15 =	sadd.s32 $0x800, s15  }
0x2f: {  	v2 =	vld.idx.msk [tilespmem:v0+s14+$0x10 ss:$0x1], $0xffff;
	[tilespmem:s15+$0x30] =	vst v7  }
0x30: {  	[tilespmem:s15+$0xFFFFFFC0] =	vst v8;
	v6 =	vld.idx.msk [tilespmem:v0+s14+$0x20 ss:$0x1], $0xffff;
	s14 =	sshra.s32 s16, $0x2;
	s16 =	sadd.s32 $0x200, s16  }
0x31: {  	_ =	sdelay $0x2  }
0x32: {  	[tilespmem:s15+$0xFFFFFFD0] =	vst v5  }
0x33: {  	v56 =	vld.idx.msk [tilespmem:v0+s14+$0x30 ss:$0x1], $0xffff;
	[tilespmem:s15+$0xFFFFFFE0] =	vst v4  }
0x34: {  	v57 =	vld.idx.msk [tilespmem:v0+s14+$0xFFFFFFC0 ss:$0x1], $0xffff;
	[tilespmem:s15+$0xFFFFFFF0] =	vst v3  }
0x35: {  	v58 =	vld.idx.msk [tilespmem:v0+s14+$0xFFFFFFD0 ss:$0x1], $0xffff;
	[tilespmem:s15+$0x0] =	vst v1  }
0x36: {  	v59 =	vld.idx.msk [tilespmem:v0+s14+$0xFFFFFFE0 ss:$0x1], $0xffff;
	[tilespmem:s15+$0x10] =	vst v2  }
0x37: {  	v60 =	vld.idx.msk [tilespmem:v0+s14+$0xFFFFFFF0 ss:$0x1], $0xffff;
	s31 =	sadd.s32 $0x800, s15;
	[tilespmem:s15+$0x20] =	vst v6  }
0x38: {  	v61 =	vld.idx.msk [tilespmem:v0+s14+$0x0 ss:$0x1], $0xffff;
	[tilespmem:s31+$0x30] =	vst v56  }
0x39: {  	v62 =	vld.idx.msk [tilespmem:v0+s14+$0x10 ss:$0x1], $0xffff;
	s13 =	sadd.s32 $0x1, s13;
	[tilespmem:s31+$0xFFFFFFC0] =	vst v57  }
0x3a: {  	v63 =	vld.idx.msk [tilespmem:v0+s14+$0x20 ss:$0x1], $0xffff;
	p1 =	sne.s32 s13, $0x10;
	[tilespmem:s31+$0xFFFFFFD0] =	vst v58  }
.Ltmp4:
0x3b: {  	[tilespmem:s31+$0xFFFFFFE0] =	vst v59;
	(pc) =	sbr.rel @p1 .LBB1_3-.Ltmp4, $4  }
0x3c: {  	[tilespmem:s31+$0xFFFFFFF0] =	vst v60  }
0x3d: {  	[tilespmem:s31+$0x0] =	vst v61  }
0x3e: {  	[tilespmem:s31+$0x10] =	vst v62  }
0x3f: {  	s10 =	sadd.s32 $0x80, s10;
	s11 =	sadd.s32 $0x400, s11;
	[tilespmem:s31+$0x20] =	vst v63  }
.Ltmp5:
0x40: {  	(pc) =	sbr.rel .LBB1_7-.Ltmp5, $4  }
0x41: {  	_ = 	snop  }
0x42: {  	s9 =	sshll.u32 s9, $0xB  }
0x43: {  	s9 =	sadd.s32 s3, s9  }
0x44: {  	[hbm4b:s9+s6] =	stream.linear.scatter [tilespmem:s12], [sflag:$0x2], $0x4000, $0x38;
	[tilespmem:$0x10000] =	vst v63  }
.LBB1_8:
0x45: {  	_ =	sfence.sel $0x180000  }
0x46: {  	s2 =	simm.s32 $0x1;
	[bflag:$0x0] =	sbarrier.arrive $0xFFFF  }
0x47: {  	s31 =	simm.s32 $0x2;
	[sflag:s2] =	ssyncpa.u1 $0x1  }
0x48: {  	[sflag:s31] =	ssyncpa.u1 $0x1  }
0x49: {  	p0 =	sne.s32 s1, $0x0;
	_ =	strace $0x90000047  }
0x4a: {  	s0 =	sadd.s32 @!p0 $0x100000, s0;
	[bflag:$0x2] =	sbarrier.arrive $0xFFFF  }
0x4b: {  	[sflag:s0] =	ssyncadd.tile.s32 @!p0 $0x1;
	_ =	shalt  }
.Lfunc_end1:
_tile_overlayer_lowered:
.L_overlay_start_2:
0x4c: {  	(tag) =	ssettag $0x2  }
0x4d: {  	s0 =	rddreg [dreg:$0x0];
	s2 =	stileid.u32  }
0x4e: {  	s1 =	rddreg [dreg:$0x1];
	p0 =	sne.s32 s2, $0x0  }
0x4f: {  	s3 =	rddreg [dreg:$0x2];
	[bflag:$0x3] =	sbarrier.arrive $0xFFFF;
	s2 =	simm.s32 @!p0 $0x1C01  }
0x50: {  	[timem:s3], [sflag:s2] =	dma.local @!p0 [hbm:s0], s1  }
0x51: {  	s0 =	simm.s32 @!p0 $0x1  }
0x52: {  	_ =	swait.ge @!p0 [sflag:s0], s1  }
0x53: {  	s1 =	ssub.s32 @!p0 $0x0, s1;
	[sflag:s0] =	ssyncset.done @!p0 $0x0  }
0x54: {  	[sflag:s0] =	ssyncadd.s32 @!p0 s1  }
0x55: {  	[bflag:$0x3] =	sbarrier.arrive $0xFFFF  }
0x56: {  	_ =	shalt  }

</sc_bundles>
